<compile_context>
chip_gen: v7x
topology: tpu7x:2x2x1
jax: 0.10.2.dev20260603
libtpu: 0.0.44.dev20260713+nightly
codegen_flags: <defaults>
</compile_context>

<pallas_src>
import functools

import jax
import jax.numpy as jnp
from jax import lax
from jax.experimental import pallas as pl
from jax.experimental.pallas import tpu as pltpu
from jax.experimental.pallas import tpu_sc as plsc

N_NODES = 10000
N_EDGES = 320000
D_FEAT = 128
HIDDEN = 16

NC = 2
NS = 16
NW = NC * NS
BLK = 128
NBLK = 79
EPT = BLK * NBLK
E_PAD = EPT * NW
ACC_N = 10112
RPT = ACC_N // NS
PAD_SPREAD = 100


def _mesh():
    return plsc.VectorSubcoreMesh(core_axis_name="c", subcore_axis_name="s")


def _deg_kernel(dst_hbm, zeros_hbm, deg_out, dst_v, ones_v, wb_v, deg_sh):
    c = lax.axis_index("c")
    s = lax.axis_index("s")
    wid = c * NS + s
    pltpu.sync_copy(zeros_hbm.at[pl.ds(s * RPT, RPT)], wb_v)
    pltpu.sync_copy(wb_v, deg_sh.at[pl.ds(s * RPT, RPT)])
    for k in range(BLK // 16):
        ones_v[pl.ds(k * 16, 16)] = jnp.ones((16,), jnp.float32)
    pltpu.sync_copy(dst_hbm.at[wid], dst_v)
    plsc.subcore_barrier()

    def body(j, carry):
        pltpu.sync_copy(ones_v, deg_sh.at[dst_v.at[j]], add=True)
        return carry

    lax.fori_loop(0, NBLK, body, 0)
    plsc.subcore_barrier()
    pltpu.sync_copy(deg_sh.at[pl.ds(s * RPT, RPT)], wb_v)
    pltpu.sync_copy(wb_v, deg_out.at[pl.ds(c * ACC_N + s * RPT, RPT)])


@functools.partial(jax.jit, donate_argnums=())
def _deg_pass(dst_w, zeros1):
    return pl.kernel(
        _deg_kernel,
        out_type=jax.ShapeDtypeStruct((NC * ACC_N,), jnp.float32),
        mesh=_mesh(),
        scratch_types=[
            pltpu.VMEM((NBLK, BLK), jnp.int32),
            pltpu.VMEM((BLK,), jnp.float32),
            pltpu.VMEM((RPT,), jnp.float32),
            pltpu.VMEM_SHARED((ACC_N,), jnp.float32),
        ],
    )(dst_w, zeros1)


def _feat_kernel(src_hbm, dst_hbm, htt_hbm, zeros_hbm, s1_out,
                 src_v, dst_v, tab_v, upd0_v, upd1_v, wb_v, sf_sh,
                 sem0, sem1):
    c = lax.axis_index("c")
    s = lax.axis_index("s")
    wid = c * NS + s
    pltpu.sync_copy(src_hbm.at[wid], src_v)
    pltpu.sync_copy(dst_hbm.at[wid], dst_v)

    def gather(j, upd):
        for k in range(BLK // 16):
            idx = src_v[j, pl.ds(k * 16, 16)]
            upd[pl.ds(k * 16, 16)] = plsc.load_gather(tab_v, [idx])

    for f in range(HIDDEN):
        pltpu.sync_copy(zeros_hbm.at[pl.ds(s * RPT, RPT)], wb_v)
        pltpu.sync_copy(wb_v, sf_sh.at[pl.ds(s * RPT, RPT)])
        pltpu.sync_copy(htt_hbm.at[pl.ds(f * ACC_N, ACC_N)], tab_v)
        plsc.subcore_barrier()

        gather(0, upd0_v)

        def body(p, carry):
            b0 = 2 * p
            cp0 = pltpu.async_copy(upd0_v, sf_sh.at[dst_v.at[b0]], sem0,
                                   add=True)
            gather(b0 + 1, upd1_v)
            cp0.wait()
            cp1 = pltpu.async_copy(upd1_v, sf_sh.at[dst_v.at[b0 + 1]], sem1,
                                   add=True)
            gather(b0 + 2, upd0_v)
            cp1.wait()
            return carry

        lax.fori_loop(0, (NBLK - 1) // 2, body, 0)
        pltpu.sync_copy(upd0_v, sf_sh.at[dst_v.at[NBLK - 1]], add=True)
        plsc.subcore_barrier()
        pltpu.sync_copy(sf_sh.at[pl.ds(s * RPT, RPT)], wb_v)
        pltpu.sync_copy(
            wb_v,
            s1_out.at[pl.ds((c * HIDDEN + f) * ACC_N + s * RPT, RPT)])


@jax.jit
def _feat_pass(src_w, dst_w, htt_flat, zeros1):
    return pl.kernel(
        _feat_kernel,
        out_type=jax.ShapeDtypeStruct((NC * HIDDEN * ACC_N,), jnp.float32),
        mesh=_mesh(),
        compiler_params=pltpu.CompilerParams(needs_layout_passes=False),
        scratch_types=[
            pltpu.VMEM((NBLK, BLK), jnp.int32),
            pltpu.VMEM((NBLK, BLK), jnp.int32),
            pltpu.VMEM((ACC_N,), jnp.float32),
            pltpu.VMEM((BLK,), jnp.float32),
            pltpu.VMEM((BLK,), jnp.float32),
            pltpu.VMEM((RPT,), jnp.float32),
            pltpu.VMEM_SHARED((ACC_N,), jnp.float32),
            pltpu.SemaphoreType.DMA,
            pltpu.SemaphoreType.DMA,
        ],
    )(src_w, dst_w, htt_flat, zeros1)


def _scal_kernel(src_hbm, dst_hbm, zt_hbm, zeros_hbm, s2_out,
                 src_v, dst_v, zt_v, upd0_v, upd1_v, wb_v, s2_sh,
                 sem0, sem1):
    c = lax.axis_index("c")
    s = lax.axis_index("s")
    wid = c * NS + s
    pltpu.sync_copy(zeros_hbm.at[pl.ds(s * RPT, RPT)], wb_v)
    pltpu.sync_copy(wb_v, s2_sh.at[pl.ds(s * RPT, RPT)])
    pltpu.sync_copy(zt_hbm, zt_v)
    pltpu.sync_copy(src_hbm.at[wid], src_v)
    pltpu.sync_copy(dst_hbm.at[wid], dst_v)
    plsc.subcore_barrier()

    def gather(j, upd):
        for k in range(BLK // 16):
            idx = src_v[j, pl.ds(k * 16, 16)]
            upd[pl.ds(k * 16, 16)] = plsc.load_gather(zt_v, [idx])

    gather(0, upd0_v)

    def body(p, carry):
        b0 = 2 * p
        cp0 = pltpu.async_copy(upd0_v, s2_sh.at[dst_v.at[b0]], sem0, add=True)
        gather(b0 + 1, upd1_v)
        cp0.wait()
        cp1 = pltpu.async_copy(upd1_v, s2_sh.at[dst_v.at[b0 + 1]], sem1,
                               add=True)
        gather(b0 + 2, upd0_v)
        cp1.wait()
        return carry

    lax.fori_loop(0, (NBLK - 1) // 2, body, 0)
    pltpu.sync_copy(upd0_v, s2_sh.at[dst_v.at[NBLK - 1]], add=True)
    plsc.subcore_barrier()
    pltpu.sync_copy(s2_sh.at[pl.ds(s * RPT, RPT)], wb_v)
    pltpu.sync_copy(wb_v, s2_out.at[pl.ds(c * ACC_N + s * RPT, RPT)])


@jax.jit
def _scal_pass(src_w, dst_w, zt, zeros1):
    return pl.kernel(
        _scal_kernel,
        out_type=jax.ShapeDtypeStruct((NC * ACC_N,), jnp.float32),
        mesh=_mesh(),
        compiler_params=pltpu.CompilerParams(needs_layout_passes=False),
        scratch_types=[
            pltpu.VMEM((NBLK, BLK), jnp.int32),
            pltpu.VMEM((NBLK, BLK), jnp.int32),
            pltpu.VMEM((ACC_N,), jnp.float32),
            pltpu.VMEM((BLK,), jnp.float32),
            pltpu.VMEM((BLK,), jnp.float32),
            pltpu.VMEM((RPT,), jnp.float32),
            pltpu.VMEM_SHARED((ACC_N,), jnp.float32),
            pltpu.SemaphoreType.DMA,
            pltpu.SemaphoreType.DMA,
        ],
    )(src_w, dst_w, zt, zeros1)


def _mm1_body(x_ref, w_ref, o_ref):
    o_ref[...] = jnp.dot(x_ref[...], w_ref[...],
                         preferred_element_type=jnp.float32)


def _prep_body(degp_ref, ht_ref, dist_ref, htt_ref):
    deg = degp_ref[0] + degp_ref[1] + 1.0
    dist = lax.rsqrt(deg)
    dist_ref[...] = dist
    htt_ref[...] = dist * ht_ref[...]


def _mid_body(s1p_ref, dist_ref, ht_ref, b1_ref, w2_ref, zt_ref, ztt_ref):
    s1 = s1p_ref[0] + s1p_ref[1]
    dist = dist_ref[...]
    aggt = dist * s1 + (dist * dist) * ht_ref[...] + b1_ref[...]
    h2t = jnp.maximum(aggt, 0.0)
    zt_row = jnp.dot(w2_ref[...], h2t,
                     preferred_element_type=jnp.float32)
    zt_ref[...] = zt_row
    ztt_ref[...] = dist * zt_row


def _fin_body(s2p_ref, dist_ref, z_ref, b2_ref, o_ref):
    s2 = s2p_ref[0] + s2p_ref[1]
    dist = dist_ref[...]
    o_ref[...] = dist * s2 + (dist * dist) * z_ref[...] + b2_ref[...]


def _tc_call(body, out_shape, *args):
    return pl.pallas_call(body, out_shape=out_shape)(*args)


@jax.jit
def kernel(x, edge_index, W1, b1, W2, b2):
    ei = edge_index.astype(jnp.int32)
    n_pad = E_PAD - N_EDGES
    pad_i = jnp.arange(n_pad, dtype=jnp.int32)
    src_w = jnp.concatenate([ei[0], pad_i % N_NODES]).reshape(NW, NBLK, BLK)
    dst_w = jnp.concatenate(
        [ei[1], N_NODES + (pad_i % PAD_SPREAD)]).reshape(NW, NBLK, BLK)

    x_pad = jnp.pad(x, ((0, ACC_N - N_NODES), (0, 0)))
    zeros1 = jnp.zeros((ACC_N,), jnp.float32)

    h = _tc_call(_mm1_body, jax.ShapeDtypeStruct((ACC_N, HIDDEN), jnp.float32),
                 x_pad, W1)
    deg_p = _deg_pass(dst_w, zeros1)

    ht_T = h.T
    dist, htt = _tc_call(
        _prep_body,
        (jax.ShapeDtypeStruct((1, ACC_N), jnp.float32),
         jax.ShapeDtypeStruct((HIDDEN, ACC_N), jnp.float32)),
        deg_p.reshape(NC, 1, ACC_N), ht_T)

    s1_p = _feat_pass(src_w, dst_w, htt.reshape(-1), zeros1)

    z_row, zt_row = _tc_call(
        _mid_body,
        (jax.ShapeDtypeStruct((1, ACC_N), jnp.float32),
         jax.ShapeDtypeStruct((1, ACC_N), jnp.float32)),
        s1_p.reshape(NC, HIDDEN, ACC_N), dist, ht_T,
        b1.reshape(HIDDEN, 1), W2.reshape(1, HIDDEN))

    s2_p = _scal_pass(src_w, dst_w, zt_row.reshape(ACC_N), zeros1)

    outf = _tc_call(
        _fin_body, jax.ShapeDtypeStruct((1, ACC_N), jnp.float32),
        s2_p.reshape(NC, 1, ACC_N), dist, z_row, b2.reshape(1, 1))
    return outf.reshape(ACC_N, 1)[:N_NODES]

# --- scband reference (transcript-rebuilt; emitter-appended) ---
"""Pipeline reference for scband-disease-gnn-28578712387810 (READ-ONLY COPY).

The authoritative reference and input builder live on the scoring server;
editing this copy changes nothing except your own understanding.
"""

import jax, jax.numpy as jnp
import numpy as np

N_NODES = 10000
N_EDGES = 320000
D_FEAT = 128
HIDDEN = 16


def setup_inputs(seed: int = 0) -> dict:
    key = jax.random.key(seed)
    k1, k2, k3, k4, k5, k6 = jax.random.split(key, 6)
    x = jax.random.normal(k1, (N_NODES, D_FEAT), dtype=jnp.float32)
    edge_index = jax.random.randint(k2, (2, N_EDGES), 0, N_NODES, dtype=jnp.int64)
    # GCNConv weights: glorot-style init
    W1 = jax.random.normal(k3, (D_FEAT, HIDDEN), dtype=jnp.float32) * (1.0 / np.sqrt(D_FEAT))
    b1 = jnp.zeros((HIDDEN,), dtype=jnp.float32)
    W2 = jax.random.normal(k4, (HIDDEN, 1), dtype=jnp.float32) * (1.0 / np.sqrt(HIDDEN))
    b2 = jnp.zeros((1,), dtype=jnp.float32)
    return {"x": x, "edge_index": edge_index, "W1": W1, "b1": b1, "W2": W2, "b2": b2}


def _gcn_conv(x, src, dst, norm, W, b):
    # x' = D^{-1/2} (A + I) D^{-1/2} X W + b  (self-loops already included in src/dst)
    h = x @ W
    msg = h[src] * norm[:, None]
    out = jnp.zeros((x.shape[0], W.shape[1]), dtype=x.dtype).at[dst].add(msg)
    return out + b


def reference(x, edge_index, W1, b1, W2, b2):
    N = x.shape[0]
    self_loops = jnp.arange(N, dtype=edge_index.dtype)
    src = jnp.concatenate([edge_index[0], self_loops])
    dst = jnp.concatenate([edge_index[1], self_loops])
    # symmetric normalization with self-loops (PyG GCNConv default)
    deg = jnp.zeros((N,), dtype=jnp.float32).at[dst].add(1.0)
    deg_inv_sqrt = jnp.where(deg > 0, 1.0 / jnp.sqrt(deg), 0.0)
    norm = deg_inv_sqrt[src] * deg_inv_sqrt[dst]
    h = _gcn_conv(x, src, dst, norm, W1, b1)
    h = jax.nn.relu(h)
    out = _gcn_conv(h, src, dst, norm, W2, b2)
    return out

if __name__ == "__main__":
    import jax
    _d = setup_inputs()
    print(jax.jit(kernel)(*tuple(_d.values())))

</pallas_src>

<mosaic_0001>
#map = affine_map<(d0, d1) -> (0, 0, 0)>
#map1 = affine_map<(d0, d1) -> (0)>
module attributes {stable_mosaic.version = 14 : i64} {
  func.func @_deg_kernel(%arg0: i32, %arg1: i32, %arg2: memref<32x79x128xi32, #tpu.memory_space<hbm>>, %arg3: memref<10112xf32, #tpu.memory_space<hbm>>, %arg4: memref<20224xf32, #tpu.memory_space<hbm>>, %arg5: memref<79x128xi32, #tpu.memory_space<vmem>>, %arg6: memref<128xf32, #tpu.memory_space<vmem>>, %arg7: memref<632xf32, #tpu.memory_space<vmem>>, %arg8: memref<10112xf32, #tpu.memory_space<vmem_shared>>) attributes {dimension_semantics = [#tpu.dimension_semantics<core_parallel>, #tpu.dimension_semantics<subcore_parallel>], iteration_bounds = array<i64: 2, 16>, scalar_prefetch = 0 : i64, scratch_operands = 4 : i64, tpu.core_type = #tpu.core_type<sc_vector_subcore>, window_params = [{transform_indices = #map}, {transform_indices = #map1}, {transform_indices = #map1}]} {
    %mul3A = arith.constant 16 : i32
    %mul3A_0 = arith.muli %arg0, %mul3A : i32
    %add3A = arith.addi %mul3A_0, %arg1 : i32
    %mul3A_1 = arith.constant 632 : i32
    %mul3A_2 = arith.muli %arg1, %mul3A_1 : i32
    "tpu.region"() ({
      %run_scoped3A = tpu.sem_alloc : memref<!tpu.dma_semaphore, #tpu.memory_space<semaphore_mem>>
      %dma_start3A = tpu.memref_slice %arg3[%mul3A_2] : memref<10112xf32, #tpu.memory_space<hbm>> -> memref<632xf32, #tpu.memory_space<hbm>>
      %dma_start3A_64 = tpu.memref_slice %arg3[%mul3A_2] : memref<10112xf32, #tpu.memory_space<hbm>> -> memref<632xf32, #tpu.memory_space<hbm>>
      tpu.enqueue_dma source(%dma_start3A_64 : memref<632xf32, #tpu.memory_space<hbm>>) target(%arg7 : memref<632xf32, #tpu.memory_space<vmem>>) target_semaphore(%run_scoped3A : memref<!tpu.dma_semaphore, #tpu.memory_space<semaphore_mem>>)
      %dma_wait3A = tpu.memref_slice %arg3[%mul3A_2] : memref<10112xf32, #tpu.memory_space<hbm>> -> memref<632xf32, #tpu.memory_space<hbm>>
      %dma_wait3A_65 = tpu.memref_slice %arg3[%mul3A_2] : memref<10112xf32, #tpu.memory_space<hbm>> -> memref<632xf32, #tpu.memory_space<hbm>>
      tpu.wait_dma2 semaphore(%run_scoped3A : memref<!tpu.dma_semaphore, #tpu.memory_space<semaphore_mem>>) src(%dma_wait3A_65 : memref<632xf32, #tpu.memory_space<hbm>>) dst(%arg7 : memref<632xf32, #tpu.memory_space<vmem>>)
      tpu.yield
    }) : () -> ()
    %mul3A_3 = arith.constant 632 : i32
    %mul3A_4 = arith.muli %arg1, %mul3A_3 : i32
    "tpu.region"() ({
      %run_scoped3A = tpu.sem_alloc : memref<!tpu.dma_semaphore, #tpu.memory_space<semaphore_mem>>
      %dma_start3A = tpu.memref_slice %arg8[%mul3A_4] : memref<10112xf32, #tpu.memory_space<vmem_shared>> -> memref<632xf32, #tpu.memory_space<vmem_shared>>
      %dma_start3A_64 = tpu.memref_slice %arg8[%mul3A_4] : memref<10112xf32, #tpu.memory_space<vmem_shared>> -> memref<632xf32, #tpu.memory_space<vmem_shared>>
      tpu.enqueue_dma source(%arg7 : memref<632xf32, #tpu.memory_space<vmem>>) target(%dma_start3A_64 : memref<632xf32, #tpu.memory_space<vmem_shared>>) target_semaphore(%run_scoped3A : memref<!tpu.dma_semaphore, #tpu.memory_space<semaphore_mem>>)
      %dma_wait3A = tpu.memref_slice %arg8[%mul3A_4] : memref<10112xf32, #tpu.memory_space<vmem_shared>> -> memref<632xf32, #tpu.memory_space<vmem_shared>>
      %dma_wait3A_65 = tpu.memref_slice %arg8[%mul3A_4] : memref<10112xf32, #tpu.memory_space<vmem_shared>> -> memref<632xf32, #tpu.memory_space<vmem_shared>>
      tpu.wait_dma2 semaphore(%run_scoped3A : memref<!tpu.dma_semaphore, #tpu.memory_space<semaphore_mem>>) src(%arg7 : memref<632xf32, #tpu.memory_space<vmem>>) dst(%dma_wait3A_65 : memref<632xf32, #tpu.memory_space<vmem_shared>>)
      tpu.yield
    }) : () -> ()
    %broadcast_in_dim3A = arith.constant 1.000000e+00 : f32
    %broadcast_in_dim3A_5 = vector.broadcast %broadcast_in_dim3A : f32 to vector<16xf32>
    %swap3A = arith.constant 0 : index
    %swap3A_6 = tpu.vector_load %arg6[%swap3A] {strides = array<i32>} : memref<128xf32, #tpu.memory_space<vmem>>, vector<16xf32>,
    %swap3A_7 = vector.shape_cast %swap3A_6 : vector<16xf32> to vector<16xf32>
    %swap3A_8 = vector.shape_cast %broadcast_in_dim3A_5 : vector<16xf32> to vector<16xf32>
    tpu.vector_store %arg6[%swap3A], %swap3A_8 {strides = array<i32>} : memref<128xf32, #tpu.memory_space<vmem>>, vector<16xf32>,
    %broadcast_in_dim3A_9 = arith.constant 1.000000e+00 : f32
    %broadcast_in_dim3A_10 = vector.broadcast %broadcast_in_dim3A_9 : f32 to vector<16xf32>
    %swap3A_11 = arith.constant 16 : index
    %swap3A_12 = tpu.vector_load %arg6[%swap3A_11] {strides = array<i32>} : memref<128xf32, #tpu.memory_space<vmem>>, vector<16xf32>,
    %swap3A_13 = vector.shape_cast %swap3A_12 : vector<16xf32> to vector<16xf32>
    %swap3A_14 = vector.shape_cast %broadcast_in_dim3A_10 : vector<16xf32> to vector<16xf32>
    tpu.vector_store %arg6[%swap3A_11], %swap3A_14 {strides = array<i32>} : memref<128xf32, #tpu.memory_space<vmem>>, vector<16xf32>,
    %broadcast_in_dim3A_15 = arith.constant 1.000000e+00 : f32
    %broadcast_in_dim3A_16 = vector.broadcast %broadcast_in_dim3A_15 : f32 to vector<16xf32>
    %swap3A_17 = arith.constant 32 : index
    %swap3A_18 = tpu.vector_load %arg6[%swap3A_17] {strides = array<i32>} : memref<128xf32, #tpu.memory_space<vmem>>, vector<16xf32>,
    %swap3A_19 = vector.shape_cast %swap3A_18 : vector<16xf32> to vector<16xf32>
    %swap3A_20 = vector.shape_cast %broadcast_in_dim3A_16 : vector<16xf32> to vector<16xf32>
    tpu.vector_store %arg6[%swap3A_17], %swap3A_20 {strides = array<i32>} : memref<128xf32, #tpu.memory_space<vmem>>, vector<16xf32>,
    %broadcast_in_dim3A_21 = arith.constant 1.000000e+00 : f32
    %broadcast_in_dim3A_22 = vector.broadcast %broadcast_in_dim3A_21 : f32 to vector<16xf32>
    %swap3A_23 = arith.constant 48 : index
    %swap3A_24 = tpu.vector_load %arg6[%swap3A_23] {strides = array<i32>} : memref<128xf32, #tpu.memory_space<vmem>>, vector<16xf32>,
    %swap3A_25 = vector.shape_cast %swap3A_24 : vector<16xf32> to vector<16xf32>
    %swap3A_26 = vector.shape_cast %broadcast_in_dim3A_22 : vector<16xf32> to vector<16xf32>
    tpu.vector_store %arg6[%swap3A_23], %swap3A_26 {strides = array<i32>} : memref<128xf32, #tpu.memory_space<vmem>>, vector<16xf32>,
    %broadcast_in_dim3A_27 = arith.constant 1.000000e+00 : f32
    %broadcast_in_dim3A_28 = vector.broadcast %broadcast_in_dim3A_27 : f32 to vector<16xf32>
    %swap3A_29 = arith.constant 64 : index
    %swap3A_30 = tpu.vector_load %arg6[%swap3A_29] {strides = array<i32>} : memref<128xf32, #tpu.memory_space<vmem>>, vector<16xf32>,
    %swap3A_31 = vector.shape_cast %swap3A_30 : vector<16xf32> to vector<16xf32>
    %swap3A_32 = vector.shape_cast %broadcast_in_dim3A_28 : vector<16xf32> to vector<16xf32>
    tpu.vector_store %arg6[%swap3A_29], %swap3A_32 {strides = array<i32>} : memref<128xf32, #tpu.memory_space<vmem>>, vector<16xf32>,
    %broadcast_in_dim3A_33 = arith.constant 1.000000e+00 : f32
    %broadcast_in_dim3A_34 = vector.broadcast %broadcast_in_dim3A_33 : f32 to vector<16xf32>
    %swap3A_35 = arith.constant 80 : index
    %swap3A_36 = tpu.vector_load %arg6[%swap3A_35] {strides = array<i32>} : memref<128xf32, #tpu.memory_space<vmem>>, vector<16xf32>,
    %swap3A_37 = vector.shape_cast %swap3A_36 : vector<16xf32> to vector<16xf32>
    %swap3A_38 = vector.shape_cast %broadcast_in_dim3A_34 : vector<16xf32> to vector<16xf32>
    tpu.vector_store %arg6[%swap3A_35], %swap3A_38 {strides = array<i32>} : memref<128xf32, #tpu.memory_space<vmem>>, vector<16xf32>,
    %broadcast_in_dim3A_39 = arith.constant 1.000000e+00 : f32
    %broadcast_in_dim3A_40 = vector.broadcast %broadcast_in_dim3A_39 : f32 to vector<16xf32>
    %swap3A_41 = arith.constant 96 : index
    %swap3A_42 = tpu.vector_load %arg6[%swap3A_41] {strides = array<i32>} : memref<128xf32, #tpu.memory_space<vmem>>, vector<16xf32>,
    %swap3A_43 = vector.shape_cast %swap3A_42 : vector<16xf32> to vector<16xf32>
    %swap3A_44 = vector.shape_cast %broadcast_in_dim3A_40 : vector<16xf32> to vector<16xf32>
    tpu.vector_store %arg6[%swap3A_41], %swap3A_44 {strides = array<i32>} : memref<128xf32, #tpu.memory_space<vmem>>, vector<16xf32>,
    %broadcast_in_dim3A_45 = arith.constant 1.000000e+00 : f32
    %broadcast_in_dim3A_46 = vector.broadcast %broadcast_in_dim3A_45 : f32 to vector<16xf32>
    %swap3A_47 = arith.constant 112 : index
    %swap3A_48 = tpu.vector_load %arg6[%swap3A_47] {strides = array<i32>} : memref<128xf32, #tpu.memory_space<vmem>>, vector<16xf32>,
    %swap3A_49 = vector.shape_cast %swap3A_48 : vector<16xf32> to vector<16xf32>
    %swap3A_50 = vector.shape_cast %broadcast_in_dim3A_46 : vector<16xf32> to vector<16xf32>
    tpu.vector_store %arg6[%swap3A_47], %swap3A_50 {strides = array<i32>} : memref<128xf32, #tpu.memory_space<vmem>>, vector<16xf32>,
    "tpu.region"() ({
      %run_scoped3A = tpu.sem_alloc : memref<!tpu.dma_semaphore, #tpu.memory_space<semaphore_mem>>
      %dma_start3A = arith.constant 0 : i32
      %dma_start3A_64 = arith.constant 0 : i32
      %dma_start3A_65 = tpu.memref_slice %arg2[%add3A, %dma_start3A, %dma_start3A_64] : memref<32x79x128xi32, #tpu.memory_space<hbm>> -> memref<1x79x128xi32, #tpu.memory_space<hbm>>
      %dma_start3A_66 = tpu.memref_squeeze %dma_start3A_65 : memref<1x79x128xi32, #tpu.memory_space<hbm>> -> memref<79x128xi32, #tpu.memory_space<hbm>>
      %dma_start3A_67 = arith.constant 0 : i32
      %dma_start3A_68 = arith.constant 0 : i32
      %dma_start3A_69 = tpu.memref_slice %arg2[%add3A, %dma_start3A_67, %dma_start3A_68] : memref<32x79x128xi32, #tpu.memory_space<hbm>> -> memref<1x79x128xi32, #tpu.memory_space<hbm>>
      %dma_start3A_70 = tpu.memref_squeeze %dma_start3A_69 : memref<1x79x128xi32, #tpu.memory_space<hbm>> -> memref<79x128xi32, #tpu.memory_space<hbm>>
      tpu.enqueue_dma source(%dma_start3A_70 : memref<79x128xi32, #tpu.memory_space<hbm>>) target(%arg5 : memref<79x128xi32, #tpu.memory_space<vmem>>) target_semaphore(%run_scoped3A : memref<!tpu.dma_semaphore, #tpu.memory_space<semaphore_mem>>)
      %dma_wait3A = arith.constant 0 : i32
      %dma_wait3A_71 = arith.constant 0 : i32
      %dma_wait3A_72 = tpu.memref_slice %arg2[%add3A, %dma_wait3A, %dma_wait3A_71] : memref<32x79x128xi32, #tpu.memory_space<hbm>> -> memref<1x79x128xi32, #tpu.memory_space<hbm>>
      %dma_wait3A_73 = tpu.memref_squeeze %dma_wait3A_72 : memref<1x79x128xi32, #tpu.memory_space<hbm>> -> memref<79x128xi32, #tpu.memory_space<hbm>>
      %dma_wait3A_74 = arith.constant 0 : i32
      %dma_wait3A_75 = arith.constant 0 : i32
      %dma_wait3A_76 = tpu.memref_slice %arg2[%add3A, %dma_wait3A_74, %dma_wait3A_75] : memref<32x79x128xi32, #tpu.memory_space<hbm>> -> memref<1x79x128xi32, #tpu.memory_space<hbm>>
      %dma_wait3A_77 = tpu.memref_squeeze %dma_wait3A_76 : memref<1x79x128xi32, #tpu.memory_space<hbm>> -> memref<79x128xi32, #tpu.memory_space<hbm>>
      tpu.wait_dma2 semaphore(%run_scoped3A : memref<!tpu.dma_semaphore, #tpu.memory_space<semaphore_mem>>) src(%dma_wait3A_77 : memref<79x128xi32, #tpu.memory_space<hbm>>) dst(%arg5 : memref<79x128xi32, #tpu.memory_space<vmem>>)
      tpu.yield
    }) : () -> ()
    %barrier3A = arith.constant 0 : index
    tpu.barrier barrier_id(%barrier3A)
    %scan3A = arith.constant 0 : i32
    %scan3A_51 = arith.constant 0 : i32
    %scan3A_52 = arith.constant 79 : i32
    %scan3A_53 = arith.addi %scan3A_51, %scan3A_52 : i32
    %scan3A_54 = arith.constant 1 : i32
    scf.for %scan3A_64 = %scan3A_51 to %scan3A_53 step %scan3A_54  : i32 {
      "tpu.region"() ({
        %run_scoped3A = tpu.sem_alloc : memref<!tpu.dma_semaphore, #tpu.memory_space<semaphore_mem>>
        %dma_start3A = arith.constant 0 : i32
        %dma_start3A_65 = tpu.memref_slice %arg5[%scan3A_64, %dma_start3A] : memref<79x128xi32, #tpu.memory_space<vmem>> -> memref<1x128xi32, #tpu.memory_space<vmem>>
        %dma_start3A_66 = tpu.memref_squeeze %dma_start3A_65 : memref<1x128xi32, #tpu.memory_space<vmem>> -> memref<128xi32, #tpu.memory_space<vmem>>
        %dma_start3A_67 = arith.constant 0 : i32
        %dma_start3A_68 = tpu.memref_slice %arg8[%dma_start3A_67] : memref<10112xf32, #tpu.memory_space<vmem_shared>> -> memref<10112xf32, #tpu.memory_space<vmem_shared>>
        tpu.enqueue_indirect_dma source(%arg6 : memref<128xf32, #tpu.memory_space<vmem>>) target(%dma_start3A_68 : memref<10112xf32, #tpu.memory_space<vmem_shared>>) offsets(%dma_start3A_66 : memref<128xi32, #tpu.memory_space<vmem>>) semaphore(%run_scoped3A : memref<!tpu.dma_semaphore, #tpu.memory_space<semaphore_mem>>) {add = true}
        %dma_wait3A = arith.constant 0 : i32
        %dma_wait3A_69 = tpu.memref_slice %arg5[%scan3A_64, %dma_wait3A] : memref<79x128xi32, #tpu.memory_space<vmem>> -> memref<1x128xi32, #tpu.memory_space<vmem>>
        %dma_wait3A_70 = tpu.memref_squeeze %dma_wait3A_69 : memref<1x128xi32, #tpu.memory_space<vmem>> -> memref<128xi32, #tpu.memory_space<vmem>>
        %dma_wait3A_71 = arith.constant 0 : i32
        %dma_wait3A_72 = tpu.memref_slice %arg8[%dma_wait3A_71] : memref<10112xf32, #tpu.memory_space<vmem_shared>> -> memref<10112xf32, #tpu.memory_space<vmem_shared>>
        tpu.wait_indirect_dma semaphore(%run_scoped3A : memref<!tpu.dma_semaphore, #tpu.memory_space<semaphore_mem>>) src(%arg6 : memref<128xf32, #tpu.memory_space<vmem>>) dst(%dma_wait3A_72 : memref<10112xf32, #tpu.memory_space<vmem_shared>>)
        tpu.yield
      }) : () -> ()
    }
    %scan3A_55 = arith.constant 79 : i32
    %barrier3A_56 = arith.constant 0 : index
    tpu.barrier barrier_id(%barrier3A_56)
    %mul3A_57 = arith.constant 632 : i32
    %mul3A_58 = arith.muli %arg1, %mul3A_57 : i32
    "tpu.region"() ({
      %run_scoped3A = tpu.sem_alloc : memref<!tpu.dma_semaphore, #tpu.memory_space<semaphore_mem>>
      %dma_start3A = tpu.memref_slice %arg8[%mul3A_58] : memref<10112xf32, #tpu.memory_space<vmem_shared>> -> memref<632xf32, #tpu.memory_space<vmem_shared>>
      %dma_start3A_64 = tpu.memref_slice %arg8[%mul3A_58] : memref<10112xf32, #tpu.memory_space<vmem_shared>> -> memref<632xf32, #tpu.memory_space<vmem_shared>>
      tpu.enqueue_dma source(%dma_start3A_64 : memref<632xf32, #tpu.memory_space<vmem_shared>>) target(%arg7 : memref<632xf32, #tpu.memory_space<vmem>>) target_semaphore(%run_scoped3A : memref<!tpu.dma_semaphore, #tpu.memory_space<semaphore_mem>>)
      %dma_wait3A = tpu.memref_slice %arg8[%mul3A_58] : memref<10112xf32, #tpu.memory_space<vmem_shared>> -> memref<632xf32, #tpu.memory_space<vmem_shared>>
      %dma_wait3A_65 = tpu.memref_slice %arg8[%mul3A_58] : memref<10112xf32, #tpu.memory_space<vmem_shared>> -> memref<632xf32, #tpu.memory_space<vmem_shared>>
      tpu.wait_dma2 semaphore(%run_scoped3A : memref<!tpu.dma_semaphore, #tpu.memory_space<semaphore_mem>>) src(%dma_wait3A_65 : memref<632xf32, #tpu.memory_space<vmem_shared>>) dst(%arg7 : memref<632xf32, #tpu.memory_space<vmem>>)
      tpu.yield
    }) : () -> ()
    %mul3A_59 = arith.constant 10112 : i32
    %mul3A_60 = arith.muli %arg0, %mul3A_59 : i32
    %mul3A_61 = arith.constant 632 : i32
    %mul3A_62 = arith.muli %arg1, %mul3A_61 : i32
    %add3A_63 = arith.addi %mul3A_60, %mul3A_62 : i32
    "tpu.region"() ({
      %run_scoped3A = tpu.sem_alloc : memref<!tpu.dma_semaphore, #tpu.memory_space<semaphore_mem>>
      %dma_start3A = tpu.memref_slice %arg4[%add3A_63] : memref<20224xf32, #tpu.memory_space<hbm>> -> memref<632xf32, #tpu.memory_space<hbm>>
      %dma_start3A_64 = tpu.memref_slice %arg4[%add3A_63] : memref<20224xf32, #tpu.memory_space<hbm>> -> memref<632xf32, #tpu.memory_space<hbm>>
      tpu.enqueue_dma source(%arg7 : memref<632xf32, #tpu.memory_space<vmem>>) target(%dma_start3A_64 : memref<632xf32, #tpu.memory_space<hbm>>) target_semaphore(%run_scoped3A : memref<!tpu.dma_semaphore, #tpu.memory_space<semaphore_mem>>)
      %dma_wait3A = tpu.memref_slice %arg4[%add3A_63] : memref<20224xf32, #tpu.memory_space<hbm>> -> memref<632xf32, #tpu.memory_space<hbm>>
      %dma_wait3A_65 = tpu.memref_slice %arg4[%add3A_63] : memref<20224xf32, #tpu.memory_space<hbm>> -> memref<632xf32, #tpu.memory_space<hbm>>
      tpu.wait_dma2 semaphore(%run_scoped3A : memref<!tpu.dma_semaphore, #tpu.memory_space<semaphore_mem>>) src(%arg7 : memref<632xf32, #tpu.memory_space<vmem>>) dst(%dma_wait3A_65 : memref<632xf32, #tpu.memory_space<hbm>>)
      tpu.yield
    }) : () -> ()
    return
  }
}

</mosaic_0001>

<sc_bundles>
// kernel: _deg_pass.3.cloned.1.call-start
scs
__scs_entry_jumppad:
0x0: {  	(pc) =	sbr.rel $0x88, $3  }
0x1: {  	(tag) =	ssettag $0x0;
	lr =	simm.s32 $0x1  }
0x2: {  	[smem:$0x3F9F] =	sst lr;
	_ =	strace $0xD0000000  }
0x3: {  	_ = 	snop  }
0x4: {  	_ = 	snop  }
0x5: {  	_ = 	snop  }
0x6: {  	_ = 	snop  }
0x7: {  	_ = 	snop  }
__scs_overlays_trampoline_lowered:
0x8: {  	[smem:$0x3FAE] =	sst s0  }
0x9: {  	[smem:$0x3FAF] =	sst s1  }
0xa: {  	[smem:$0x3FB0] =	sst s2  }
0xb: {  	[smem:$0x3FB1] =	sst s3  }
0xc: {  	[smem:$0x3FB2] =	sst s4  }
0xd: {  	[smem:$0x3FB3] =	sst s5  }
0xe: {  	[smem:$0x3FB4] =	sst s6  }
0xf: {  	[smem:$0x3FB5] =	sst s7  }
0x10: {  	[smem:$0x3FB6] =	sst s8  }
0x11: {  	[smem:$0x3FB7] =	sst s9;
	s0 =	simm.s32 @!p0 $0x0  }
0x12: {  	s1 =	sld [smem:$0x3F9D];
	s0 =	simm.s32 @p0 $0x1  }
0x13: {  	[smem:$0x3FB8] =	sst s0;
	s0 =	simm.s32 @!p1 $0x0  }
0x14: {  	s2 =	sld [smem:$0x3F9C];
	s0 =	simm.s32 @p1 $0x1  }
0x15: {  	[smem:$0x3FB9] =	sst s0;
	s0 =	simm.s32 @!p2 $0x0  }
0x16: {  	s3 =	sld [smem:$0x3FDB];
	s0 =	simm.s32 @p2 $0x1  }
0x17: {  	s4 =	simm.s32 $0x1BF5;
	[smem:$0x3FBB] =	sst s0  }
0x18: {  	s0 =	sld [smem:$0x3F9E];
	_ =	swait.ge [sflag:s4], $0x0  }
0x19: {  	s7 =	sld [smem:$0x3F9F]  }
0x1a: {  	s8 =	sadd.s32 $0xFFFFE003, lr  }
0x1b: {  	s9 =	sadd.s32 $0xFFFFFEF7, lr;
	s5 =	simm.s32 $0xFFFFFFFF;
	p2 =	slt.u32 s8, $0xFFFFF086  }
0x1c: {  	p1 =	slt.u32 s9, $0xF7A;
	s5 =	simm.s32 @!p2 $0x0  }
0x1d: {  	s5 =	simm.s32 @p1 $0x1;
	p0 =	seq.s32 s7, s2  }
0x1e: {  	s7 =	smul.u32 @!p0 $0xF7A, s2;
	p2 =	seq.s32 @!p0 s5, $0x0  }
0x1f: {  	s9 =	smul.u32 $0xF7A, s1;
	s8 =	simm.s32 @!p0 $0x1BF5;
	p2 =	por !p2, p0  }
0x20: {  	[sflag:s8] =	ssyncset.s32 @!p0 $0xFFFFF086;
	s6 =	sadd.s32 @!p0 s3, s7;
	s7 =	simm.s32 @!p0 $0x108  }
0x21: {  	s3 =	sadd.s32 s3, s9;
	s6 =	sadd.s32 @!p0 $0x88, s6;
	s7 =	simm.s32 @p2 $0x1082  }
0x22: {  	[simem:s7], [sflag:s8] =	dma.local @!p0 [hbm:s6], $0xF7A  }
0x23: {  	s9 =	sor.u32 $0xD0000000, s2;
	s6 =	simm.s32 $0x108;
	_ =	swait.ge @!p0 [sflag:s8], $0x0  }
0x24: {  	s3 =	sadd.s32 $0x88, s3;
	s6 =	simm.s32 @!p1 $0x1082;
	[sflag:s4] =	ssyncset.s32 $0xFFFFF086  }
0x25: {  	[simem:s6], [sflag:s4] =	dma.local [hbm:s3], $0xF7A  }
0x26: {  	[smem:$0x3F9F] =	sst s1;
	(tag) =	ssettag s2;
	_ =	strace s9  }
0x27: {  	s1 =	sld [smem:$0x3FAF]  }
0x28: {  	s2 =	sld [smem:$0x3FB0]  }
0x29: {  	s4 =	sld [smem:$0x3FB2]  }
0x2a: {  	p0 =	seq.s32 s5, $0x0;
	s5 =	sld [smem:$0x3FB3]  }
0x2b: {  	s6 =	sld [smem:$0x3FB4]  }
0x2c: {  	s7 =	sld [smem:$0x3FB5]  }
0x2d: {  	s3 =	simm.s32 $0x108;
	s8 =	sld [smem:$0x3FB6]  }
0x2e: {  	s3 =	simm.s32 @!p0 $0x1082;
	s9 =	sld [smem:$0x3FB7]  }
0x2f: {  	lr =	sadd.s32 s0, s3;
	s0 =	sld [smem:$0x3FAE]  }
0x30: {  	s3 =	sld [smem:$0x3FB1]  }
0x31: {  	[smem:$0x3FBA] =	sst s10  }
0x32: {  	s10 =	sld [smem:$0x3FB8];
	_ =	sdelay $0x3  }
0x33: {  	p0 =	seq.s32 s10, $0x1;
	s10 =	sld [smem:$0x3FBA];
	_ =	sdelay $0x3  }
0x34: {  	[smem:$0x3FBA] =	sst s10  }
0x35: {  	s10 =	sld [smem:$0x3FB9];
	_ =	sdelay $0x3  }
0x36: {  	p1 =	seq.s32 s10, $0x1;
	s10 =	sld [smem:$0x3FBA];
	_ =	sdelay $0x3  }
0x37: {  	[smem:$0x3FBA] =	sst s10  }
0x38: {  	s10 =	sld [smem:$0x3FBB]  }
0x39: {  	_ = 	snop;
	(pc) =	sbr.ind lr, $3  }
0x3a: {  	_ = 	snop  }
0x3b: {  	_ = 	snop  }
0x3c: {  	p2 =	seq.s32 s10, $0x1;
	s10 =	sld [smem:$0x3FBA]  }
0x3d: {  	_ =	shalt  }
0x3e: {  	_ =	shalt  }
0x3f: {  	_ =	shalt  }
0x40: {  	_ =	shalt  }
0x41: {  	_ =	shalt  }
0x42: {  	_ =	shalt  }
0x43: {  	_ =	shalt  }
0x44: {  	_ =	shalt  }
0x45: {  	_ =	shalt  }
0x46: {  	_ =	shalt  }
0x47: {  	_ =	shalt  }
0x48: {  	_ =	shalt  }
0x49: {  	_ =	shalt  }
0x4a: {  	_ =	shalt  }
0x4b: {  	_ =	shalt  }
0x4c: {  	_ =	shalt  }
0x4d: {  	_ =	shalt  }
0x4e: {  	_ =	shalt  }
0x4f: {  	_ =	shalt  }
0x50: {  	_ =	shalt  }
0x51: {  	_ =	shalt  }
0x52: {  	_ =	shalt  }
0x53: {  	_ =	shalt  }
0x54: {  	_ =	shalt  }
0x55: {  	_ =	shalt  }
0x56: {  	_ =	shalt  }
0x57: {  	_ =	shalt  }
0x58: {  	_ =	shalt  }
0x59: {  	_ =	shalt  }
0x5a: {  	_ =	shalt  }
0x5b: {  	_ =	shalt  }
0x5c: {  	_ =	shalt  }
0x5d: {  	_ =	shalt  }
0x5e: {  	_ =	shalt  }
0x5f: {  	_ =	shalt  }
0x60: {  	_ =	shalt  }
0x61: {  	_ =	shalt  }
0x62: {  	_ =	shalt  }
0x63: {  	_ =	shalt  }
0x64: {  	_ =	shalt  }
0x65: {  	_ =	shalt  }
0x66: {  	_ =	shalt  }
0x67: {  	_ =	shalt  }
0x68: {  	_ =	shalt  }
0x69: {  	_ =	shalt  }
0x6a: {  	_ =	shalt  }
0x6b: {  	_ =	shalt  }
0x6c: {  	_ =	shalt  }
0x6d: {  	_ =	shalt  }
0x6e: {  	_ =	shalt  }
0x6f: {  	_ =	shalt  }
0x70: {  	_ =	shalt  }
0x71: {  	_ =	shalt  }
0x72: {  	_ =	shalt  }
0x73: {  	_ =	shalt  }
0x74: {  	_ =	shalt  }
0x75: {  	_ =	shalt  }
0x76: {  	_ =	shalt  }
0x77: {  	_ =	shalt  }
0x78: {  	_ =	shalt  }
0x79: {  	_ =	shalt  }
0x7a: {  	_ =	shalt  }
0x7b: {  	_ =	shalt  }
0x7c: {  	_ =	shalt  }
0x7d: {  	_ =	shalt  }
0x7e: {  	_ =	shalt  }
0x7f: {  	_ =	shalt  }
0x80: {  	_ =	shalt  }
0x81: {  	_ =	shalt  }
0x82: {  	_ =	shalt  }
0x83: {  	_ =	shalt  }
0x84: {  	_ =	shalt  }
0x85: {  	_ =	shalt  }
0x86: {  	_ =	shalt  }
0x87: {  	_ =	shalt  }
.Lfunc_end0:
.L_simem_size_0:
called_computation_lowered:
.L_overlay_start_0:
0x88: {  	s2 =	sld [smem:$0x3FD9]  }
0x89: {  	s3 =	sld [smem:$0x3FFE];
	_ =	sdelay $0x1  }
0x8a: {  	s1 =	srdreg.scid  }
0x8b: {  	s0 =	sand.u32 $0x1, s1  }
0x8c: {  	s17 =	sshll.u32 s0, $0xA;
	s2 =	sadd.s32 s3, s2  }
0x8d: {  	s2 =	sadd.s32 s2, s17  }
0x8e: {  	[smem:$0x3FC6] =	sst s2  }
0x8f: {  	_ = 	snop  }
0x90: {  	s2 =	sld [smem:$0x3FC8]  }
0x91: {  	s18 =	sld [smem:$0x3FD0];
	(tm) =	ssettm $0x1  }
0x92: {  	s4 =	sld [smem:$0x3FFB];
	_ =	sdelay $0x3  }
0x93: {  	_ =	strace s4  }
0x94: {  	s4 =	sld [smem:$0x3FFC];
	_ =	sdelay $0x3  }
0x95: {  	_ =	strace s4  }
0x96: {  	s4 =	sld [smem:$0x3FFD];
	_ =	sdelay $0x3  }
0x97: {  	_ =	strace s4  }
0x98: {  	_ =	strace $0x8FFFFFFF  }
0x99: {  	s19 =	sld [smem:$0x3FDB];
	_ =	sdelay $0x1  }
0x9a: {  	s5 =	simm.s32 $_scs_section_size  }
0x9b: {  	s6 =	simm.s32 $_size__tile_overlayer_lowered;
	s7 =	simm.s32 $_tile_overlayer_lowered  }
0x9c: {  	s22 =	simm.s32 $0x1BFF;
	s21 =	sshll.u32 s7, $0x1;
	s4 =	sadd.s32 s5, s19  }
0x9d: {  	s8 =	simm.s32 $0x0;
	s20 =	sshll.u32 s6, $0x1;
	s6 =	sadd.s32 s21, s4  }
0x9e: {  	[timem:s8], [sflag:s22] =	dma.local [hbm:s6], s20  }
0x9f: {  	_ =	swait.ge [sflag:s22], s20  }
0xa0: {  	s5 =	ssub.s32 $0x0, s20;
	[sflag:s22] =	ssyncset.done $0x0  }
0xa1: {  	[sflag:s22] =	ssyncadd.s32 s5;
	_ =	sdelay $0x1  }
0xa2: {  	s23 =	simm.s32 $0x1B8B  }
0xa3: {  	_ =	swait.ge [sflag:s23], $0x1  }
0xa4: {  	[sflag:s23] =	ssyncset.done $0x0  }
0xa5: {  	s25 =	simm.s32 $0x1B8E;
	s24 =	sld [smem:$0x3FFE];
	[sflag:s23] =	ssyncadd.s32 $0xFFFFFFFF  }
0xa6: {  	s26 =	simm.s32 $execute0_lowered;
	[smem:$0x3FD2] =	sst s25  }
0xa7: {  	s6 =	sshll.u32 s26, $0x1;
	_ =	strace $0x80000046;
	[dreg:$0x1] =	wrdreg $0xFFFFFFFF  }
0xa8: {  	s28 =	simm.s32 $_size_execute0_lowered;
	s4 =	sadd.s32 s4, s6;
	[dreg:$0x0] =	wrdreg $0x0  }
0xa9: {  	s6 =	sshll.u32 s28, $0x1;
	[dreg:$0x2] =	wrdreg s4  }
0xaa: {  	[dreg:$0x3] =	wrdreg s6  }
0xab: {  	[dreg:$0x4] =	wrdreg $0xC0  }
0xac: {  	_ =	task [dreg:s8], $0x5FFFF  }
0xad: {  	[dreg:$0x1] =	wrdreg $0xFFFFFFFF  }
0xae: {  	[dreg:$0x0] =	wrdreg $0x60  }
0xaf: {  	[dreg:$0x2] =	wrdreg s24  }
0xb0: {  	[dreg:$0x3] =	wrdreg s2  }
0xb1: {  	[dreg:$0x4] =	wrdreg s18  }
0xb2: {  	[dreg:$0x5] =	wrdreg $0x2B000  }
0xb3: {  	[dreg:$0x6] =	wrdreg $0x9  }
0xb4: {  	_ =	task.clear_ibuf [dreg:s8], $0x7FFFF;
	_ =	strace $0x90000046  }
0xb5: {  	s29 =	simm.s32 $0x9;
	_ =	strace $0x80000048  }
0xb6: {  	_ =	swait.ge [sflag:s29], $0x1  }
0xb7: {  	[sflag:s29] =	ssyncadd.s32 $0xFFFFFFFF  }
0xb8: {  	_ =	strace $0x90000048  }
0xb9: {  	_ =	sfence  }
0xba: {  	s30 =	sld [smem:$0x0];
	_ =	sdelay $0x2  }
0xbb: {  	s31 =	sshll.u32 s1, $0xD;
	s1 =	sshrl.u32 s1, $0x2  }
0xbc: {  	s3 =	sand.u32 $0x4000, s31;
	s1 =	sadd.s32 s1, s30  }
0xbd: {  	s0 =	sor.u32 s3, s0;
	s1 =	sshll.u32 s1, $0x11  }
0xbe: {  	s0 =	sor.u32 s1, s0  }
0xbf: {  	s0 =	sadd.s32 $0x8F2B, s0  }
0xc0: {  	[sflag:s0] =	ssyncadd.remote.s32 $0x1  }
0xc1: {  	_ =	sfence.sel $0xFFFF  }
0xc2: {  	[dreg:$0x0] =	wrdreg $0xFFFFFFFF;
	(pc) =	sbr.abs _section_cstart, $3  }
0xc3: {  	[dreg:$0x1] =	wrdreg $0xFFFFFFFF  }
0xc4: {  	_ =	task.clear_ibuf [dreg:s8], $0x2FFFF;
	_ =	strace $0x9FFFFFFF  }
0xc5: {  	(tm) =	ssettm $0x7FFFFFFF  }
tec
execute0_lowered:
.L_overlay_start_1:
0x0: {  	(tag) =	ssettag $0x1  }
0x1: {  	s4 =	rddreg [dreg:$0x0]  }
0x2: {  	s6 =	rddreg [dreg:$0x1]  }
0x3: {  	s7 =	rddreg [dreg:$0x2]  }
0x4: {  	s0 =	srdreg.scid;
	s2 =	rddreg [dreg:$0x3];
	s3 =	simm.s32 $0x0  }
0x5: {  	s13 =	simm.s32 $0x0;
	s5 =	sand.u32 $0x1, s0;
	s0 =	stileid.u32  }
0x6: {  	[smem:$0x7FF] =	sst s3;
	s1 =	sshll.u32 s5, $0x4;
	s9 =	smul.u32 $0x278, s0  }
0x7: {  	s10 =	smul.u32 $0x2780, s5;
	s31 =	ssub.s32 $0x2, s5;
	s1 =	sor.u32 s0, s1  }
0x8: {  	s5 =	sshrl.u32 s31, $0x1;
	s8 =	smul.u32 $0x500, s1;
	s1 =	rddreg [dreg:$0x4]  }
0x9: {  	_ =	strace $0x80000047;
	s11 =	sshrl.u32 s9, $0x3;
	s10 =	sadd.s32 s9, s10  }
0xa: {  	s12 =	ssub.s32 s31, s5;
	s5 =	sadd.s32 s9, s2;
	s9 =	simm.s32 $0x2880  }
0xb: {  	s10 =	sshrl.u32 s10, $0x3;
	s8 =	sadd.s32 s8, s4;
	s4 =	sadd.s32 s6, s11  }
0xc: {  	s7 =	sadd.s32 s7, s10;
	s10 =	simm.s32 $0x1;
	s11 =	simm.s32 $0x80  }
0xd: {  	v0 =	vimm.f32 $1.000000000e+00;
	s6 =	sadd.s32 $0x400, s8;
	s8 =	smax.u32 s12, $0x1;
	s12 =	simm.s32 $0x2800  }
.LBB2_1:
0xe: {  	[tilespmem:s9], [sflag:$0x1] =	stream.linear.gather [hbm4b:s4+s3], $0x278, $0x38;
	[tilespmem:$0x2D78] =	vst v63  }
0xf: {  	_ =	swait.ge [sflag:s10], $0x278  }
0x10: {  	[sflag:s10] =	ssyncset.done $0x0  }
0x11: {  	[sflag:s10] =	ssyncadd.s32 $0xFFFFFD88  }
0x12: {  	[spmem:s5] =	stream.linear.scatter [tilespmem:s9], [sflag:$0x1], $0x278, $0x38;
	[tilespmem:$0x2D78] =	vst v63  }
0x13: {  	_ =	swait.ge [sflag:s10], $0x278  }
0x14: {  	[sflag:s10] =	ssyncset.done $0x0  }
0x15: {  	[sflag:s10] =	ssyncadd.s32 $0xFFFFFD88  }
0x16: {  	[tilespmem:$0x2800] =	vst v0  }
0x17: {  	[tilespmem:$0x2810] =	vst v0  }
0x18: {  	[tilespmem:$0x2820] =	vst v0  }
0x19: {  	[tilespmem:$0x2830] =	vst v0  }
0x1a: {  	[tilespmem:$0x2840] =	vst v0  }
0x1b: {  	[tilespmem:$0x2850] =	vst v0  }
0x1c: {  	[tilespmem:$0x2860] =	vst v0  }
0x1d: {  	[tilespmem:$0x2870] =	vst v0  }
0x1e: {  	[tilespmem:s3], [sflag:$0x1] =	stream.linear.gather [hbm4b:s6+s3], $0x2780, $0x38;
	[tilespmem:$0x2D78] =	vst v63  }
0x1f: {  	_ =	swait.ge [sflag:s10], $0x2780  }
0x20: {  	[sflag:s10] =	ssyncset.done $0x0  }
0x21: {  	[sflag:s10] =	ssyncadd.s32 $0xFFFFD880  }
0x22: {  	s14 =	simm.s32 $0x0;
	[bflag:$0x0] =	sbarrier.arrive $0xFFFF  }
0x23: {  	[spmem:s2] =	stream.indirect.scatter.add.f32 [tilespmem:s12], [sflag:$0x1], $0x1, s14, s11, $0xb8;
	[tilespmem:$0x2D78] =	vst v63  }
0x24: {  	_ =	swait.ge [sflag:s10], $0x80  }
0x25: {  	s14 =	simm.s32 $0x200;
	[sflag:s10] =	ssyncset.done $0x0  }
.LBB2_2:
0x26: {  	s15 =	sshra.s32 s14, $0x2;
	[sflag:s10] =	ssyncadd.s32 $0xFFFFFF80;
	p0 =	sne.s32 s14, $0x9C00  }
0x27: {  	[spmem:s2] =	stream.indirect.scatter.add.f32 [tilespmem:s12], [sflag:$0x1], $0x1, s15, s11, $0xb8;
	[tilespmem:$0x2D78] =	vst v63  }
.Ltmp0:
0x28: {  	_ = 	snop;
	(pc) =	sbr.rel @p0 .LBB2_2-.Ltmp0, $4  }
0x29: {  	_ = 	snop  }
0x2a: {  	s14 =	sadd.s32 $0x200, s14  }
0x2b: {  	_ =	swait.ge [sflag:s10], $0x80  }
0x2c: {  	[sflag:s10] =	ssyncset.done $0x0  }
0x2d: {  	[sflag:s10] =	ssyncadd.s32 $0xFFFFFF80  }
0x2e: {  	[bflag:$0x0] =	sbarrier.arrive $0xFFFF  }
0x2f: {  	[tilespmem:s9], [sflag:$0x1] =	stream.linear.gather [spmem:s5], $0x278, $0x38;
	[tilespmem:$0x2D78] =	vst v63  }
0x30: {  	s13 =	sadd.s32 $0x1, s13;
	_ =	swait.ge [sflag:s10], $0x278  }
0x31: {  	p0 =	sne.s32 s13, s8;
	[sflag:s10] =	ssyncset.done $0x0  }
.Ltmp1:
0x32: {  	[sflag:s10] =	ssyncadd.s32 $0xFFFFFD88;
	(pc) =	sbr.rel @p0 .LBB2_1-.Ltmp1, $4  }
0x33: {  	[hbm4b:s7+s3] =	stream.linear.scatter [tilespmem:s9], [sflag:$0x1], $0x278, $0x38;
	[tilespmem:$0x2D78] =	vst v63  }
0x34: {  	_ =	swait.ge [sflag:s10], $0x278  }
0x35: {  	[sflag:s10] =	ssyncset.done $0x0  }
0x36: {  	[sflag:s10] =	ssyncadd.s32 $0xFFFFFD88  }
0x37: {  	_ =	sfence.sel $0x180000  }
0x38: {  	[bflag:$0x0] =	sbarrier.arrive $0xFFFF  }
0x39: {  	p0 =	sne.s32 s0, $0x0;
	_ =	strace $0x90000047  }
0x3a: {  	s0 =	sadd.s32 @!p0 $0x100000, s1;
	[bflag:$0x2] =	sbarrier.arrive $0xFFFF  }
0x3b: {  	[sflag:s0] =	ssyncadd.tile.s32 @!p0 $0x1;
	_ =	shalt  }
.Lfunc_end2:
_tile_overlayer_lowered:
.L_overlay_start_2:
0x3c: {  	(tag) =	ssettag $0x2  }
0x3d: {  	s0 =	rddreg [dreg:$0x0];
	s2 =	stileid.u32  }
0x3e: {  	s1 =	rddreg [dreg:$0x1];
	p0 =	sne.s32 s2, $0x0  }
0x3f: {  	s3 =	rddreg [dreg:$0x2];
	[bflag:$0x3] =	sbarrier.arrive $0xFFFF;
	s2 =	simm.s32 @!p0 $0x1C01  }
0x40: {  	[timem:s3], [sflag:s2] =	dma.local @!p0 [hbm:s0], s1  }
0x41: {  	s0 =	simm.s32 @!p0 $0x1  }
0x42: {  	_ =	swait.ge @!p0 [sflag:s0], s1  }
0x43: {  	s1 =	ssub.s32 @!p0 $0x0, s1;
	[sflag:s0] =	ssyncset.done @!p0 $0x0  }
0x44: {  	[sflag:s0] =	ssyncadd.s32 @!p0 s1  }
0x45: {  	[bflag:$0x3] =	sbarrier.arrive $0xFFFF  }
0x46: {  	_ =	shalt  }

</sc_bundles>
